<compile_context>
chip_gen: v7x
topology: tpu7x:2x2x1
jax: 0.10.2.dev20260603
libtpu: 0.0.44.dev20260713+nightly
codegen_flags: <defaults>
</compile_context>

<pallas_src>
import jax
import jax.numpy as jnp
from jax import lax
from jax.experimental import pallas as pl
from jax.experimental.pallas import tpu as pltpu
from jax.experimental.pallas import tpu_sc as plsc

_VOCAB = 100000
_ROWS = 16
_COLS = 4096
_LANES = 16
_CHUNKS = _COLS // _LANES


def _tokenizer_body(inp_hbm, packed_hbm, len_hbm, x_v, out_v, len_v):
    c = lax.axis_index("c")
    s = lax.axis_index("s")

    @pl.when(s < 8)
    def _():
        r = c * 8 + s
        pltpu.sync_copy(inp_hbm.at[r], x_v)

        one = jnp.full((_LANES,), 1, jnp.int32)
        zero = jnp.full((_LANES,), 0, jnp.int32)
        neg1 = jnp.full((_LANES,), -1, jnp.int32)

        @plsc.parallel_loop(0, _CHUNKS, unroll=8)
        def _fill(i):
            out_v[pl.ds(i * _LANES, _LANES)] = neg1

        @plsc.parallel_loop(0, _CHUNKS, unroll=4, carry=zero)
        def total_v(i, off_v):
            v = x_v[pl.ds(i * _LANES, _LANES)]
            m = v < _VOCAB
            mi = jnp.where(m, one, zero)
            incl = plsc.cumsum(mi)
            idx = off_v + (incl - mi)
            plsc.store_scatter(out_v, [idx], v, mask=m)
            return off_v + incl[15]

        pltpu.sync_copy(out_v, packed_hbm.at[r])
        len_v[...] = total_v
        pltpu.sync_copy(len_v.at[pl.ds(0, 8)], len_hbm.at[pl.ds(r * 8, 8)])


@jax.jit
def kernel(inputs):
    mesh = plsc.VectorSubcoreMesh(core_axis_name="c", subcore_axis_name="s")
    call = pl.kernel(
        _tokenizer_body,
        mesh=mesh,
        compiler_params=pltpu.CompilerParams(needs_layout_passes=False),
        out_type=[
            jax.ShapeDtypeStruct((_ROWS, _COLS), jnp.int32),
            jax.ShapeDtypeStruct((_ROWS * 8,), jnp.int32),
        ],
        scratch_types=[
            pltpu.VMEM((_COLS,), jnp.int32),
            pltpu.VMEM((_COLS,), jnp.int32),
            pltpu.VMEM((_LANES,), jnp.int32),
        ],
    )
    packed, len8 = call(inputs)
    return packed, len8[::8]

# --- scband reference (transcript-rebuilt; emitter-appended) ---
"""Pipeline reference for scband-word-tokenizer-layer-77541339562496 (READ-ONLY COPY).

The authoritative reference and input builder live on the scoring server;
editing this copy changes nothing except your own understanding.
"""

import jax, jax.numpy as jnp
import numpy as np

VOCAB = 100000  # size of the in-vocabulary id range; ids >= VOCAB emulate OOV words (hash-table default -1)


def setup_inputs(seed: int = 0) -> dict:
    key = jax.random.key(seed)
    # Each row is a 'sentence' of word ids after tf.strings.split; ids in [0, 2*VOCAB).
    # Ids >= VOCAB represent out-of-vocabulary words whose StaticHashTable lookup yields -1.
    inputs = jax.random.randint(key, (16, 4096), 0, 2 * VOCAB, dtype=jnp.int32)
    return {"inputs": inputs}


def reference(inputs):
    # StaticHashTable lookup with default_value=-1: in-vocab ids map to themselves, OOV -> -1
    indexes = jnp.where(inputs < VOCAB, inputs, jnp.int32(-1))
    # FilterInvalidWords: keep only tokens >= 0, per sentence (ragged output).
    valid = indexes >= 0
    # Dense ragged representation: stably pack valid tokens to the front of each row,
    # pad the tail with -1, and return per-row lengths (row_lengths of the ragged tensor).
    order = jnp.argsort(jnp.logical_not(valid), axis=1, stable=True)
    packed = jnp.take_along_axis(indexes, order, axis=1)
    lengths = jnp.sum(valid, axis=1).astype(jnp.int32)
    col = jnp.arange(packed.shape[1], dtype=jnp.int32)[None, :]
    packed = jnp.where(col < lengths[:, None], packed, jnp.int32(-1))
    return packed, lengths

if __name__ == "__main__":
    import jax
    _d = setup_inputs()
    print(jax.jit(kernel)(*tuple(_d.values())))

</pallas_src>

<mosaic_0001>
#map = affine_map<(d0, d1) -> (0, 0)>
#map1 = affine_map<(d0, d1) -> (0)>
module attributes {stable_mosaic.version = 14 : i64} {
  func.func @_tokenizer_body(%arg0: i32, %arg1: i32, %arg2: memref<16x4096xi32, #tpu.memory_space<hbm>>, %arg3: memref<16x4096xi32, #tpu.memory_space<hbm>>, %arg4: memref<128xi32, #tpu.memory_space<hbm>>, %arg5: memref<4096xi32, #tpu.memory_space<vmem>>, %arg6: memref<4096xi32, #tpu.memory_space<vmem>>, %arg7: memref<16xi32, #tpu.memory_space<vmem>>) attributes {dimension_semantics = [#tpu.dimension_semantics<core_parallel>, #tpu.dimension_semantics<subcore_parallel>], iteration_bounds = array<i64: 2, 16>, scalar_prefetch = 0 : i64, scratch_operands = 3 : i64, tpu.core_type = #tpu.core_type<sc_vector_subcore>, window_params = [{transform_indices = #map}, {transform_indices = #map}, {transform_indices = #map1}]} {
    %lt3A = arith.constant 8 : i32
    %lt3A_0 = arith.cmpi slt, %arg1, %lt3A : i32
    %convert_element_type3A = arith.extui %lt3A_0 : i1 to i32
    %cond3A = arith.constant 0 : i32
    %cond3A_1 = arith.cmpi ne, %convert_element_type3A, %cond3A : i32
    scf.if %cond3A_1 {
      %mul3A = arith.constant 8 : i32
      %mul3A_2 = arith.muli %arg0, %mul3A : i32
      %add3A = arith.addi %mul3A_2, %arg1 : i32
      "tpu.region"() ({
        %run_scoped3A = tpu.sem_alloc : memref<!tpu.dma_semaphore, #tpu.memory_space<semaphore_mem>>
        %dma_start3A = arith.constant 0 : i32
        %dma_start3A_17 = tpu.memref_slice %arg2[%add3A, %dma_start3A] : memref<16x4096xi32, #tpu.memory_space<hbm>> -> memref<1x4096xi32, #tpu.memory_space<hbm>>
        %dma_start3A_18 = tpu.memref_squeeze %dma_start3A_17 : memref<1x4096xi32, #tpu.memory_space<hbm>> -> memref<4096xi32, #tpu.memory_space<hbm>>
        %dma_start3A_19 = arith.constant 0 : i32
        %dma_start3A_20 = tpu.memref_slice %arg2[%add3A, %dma_start3A_19] : memref<16x4096xi32, #tpu.memory_space<hbm>> -> memref<1x4096xi32, #tpu.memory_space<hbm>>
        %dma_start3A_21 = tpu.memref_squeeze %dma_start3A_20 : memref<1x4096xi32, #tpu.memory_space<hbm>> -> memref<4096xi32, #tpu.memory_space<hbm>>
        tpu.enqueue_dma source(%dma_start3A_21 : memref<4096xi32, #tpu.memory_space<hbm>>) target(%arg5 : memref<4096xi32, #tpu.memory_space<vmem>>) target_semaphore(%run_scoped3A : memref<!tpu.dma_semaphore, #tpu.memory_space<semaphore_mem>>)
        %dma_wait3A = arith.constant 0 : i32
        %dma_wait3A_22 = tpu.memref_slice %arg2[%add3A, %dma_wait3A] : memref<16x4096xi32, #tpu.memory_space<hbm>> -> memref<1x4096xi32, #tpu.memory_space<hbm>>
        %dma_wait3A_23 = tpu.memref_squeeze %dma_wait3A_22 : memref<1x4096xi32, #tpu.memory_space<hbm>> -> memref<4096xi32, #tpu.memory_space<hbm>>
        %dma_wait3A_24 = arith.constant 0 : i32
        %dma_wait3A_25 = tpu.memref_slice %arg2[%add3A, %dma_wait3A_24] : memref<16x4096xi32, #tpu.memory_space<hbm>> -> memref<1x4096xi32, #tpu.memory_space<hbm>>
        %dma_wait3A_26 = tpu.memref_squeeze %dma_wait3A_25 : memref<1x4096xi32, #tpu.memory_space<hbm>> -> memref<4096xi32, #tpu.memory_space<hbm>>
        tpu.wait_dma2 semaphore(%run_scoped3A : memref<!tpu.dma_semaphore, #tpu.memory_space<semaphore_mem>>) src(%dma_wait3A_26 : memref<4096xi32, #tpu.memory_space<hbm>>) dst(%arg5 : memref<4096xi32, #tpu.memory_space<vmem>>)
        tpu.yield
      }) : () -> ()
      %broadcast_in_dim3A = arith.constant 1 : i32
      %broadcast_in_dim3A_3 = vector.broadcast %broadcast_in_dim3A : i32 to vector<16xi32>
      %broadcast_in_dim3A_4 = arith.constant 0 : i32
      %broadcast_in_dim3A_5 = vector.broadcast %broadcast_in_dim3A_4 : i32 to vector<16xi32>
      %broadcast_in_dim3A_6 = arith.constant -1 : i32
      %broadcast_in_dim3A_7 = vector.broadcast %broadcast_in_dim3A_6 : i32 to vector<16xi32>
      %parallel_loop3A = arith.constant 0 : i32
      %parallel_loop3A_8 = arith.constant 256 : i32
      %parallel_loop3A_9 = arith.constant 1 : i32
      scf.for %parallel_loop3A_17 = %parallel_loop3A to %parallel_loop3A_8 step %parallel_loop3A_9  : i32 {
        %parallel_loop3A_18 = arith.constant 16 : i32
        %parallel_loop3A_19 = arith.muli %parallel_loop3A_17, %parallel_loop3A_18 : i32
        %parallel_loop3A_20 = arith.index_cast %parallel_loop3A_19 : i32 to index
        %parallel_loop3A_21 = tpu.vector_load %arg6[%parallel_loop3A_20] {strides = array<i32>} : memref<4096xi32, #tpu.memory_space<vmem>>, vector<16xi32>,
        tpu.vector_store %arg6[%parallel_loop3A_20], %broadcast_in_dim3A_7 {strides = array<i32>} : memref<4096xi32, #tpu.memory_space<vmem>>, vector<16xi32>,
      } {sc.loop_unroll_factor = 8 : i64, sc.parallel_access}
      %parallel_loop3A_10 = arith.constant 0 : i32
      %parallel_loop3A_11 = arith.constant 256 : i32
      %parallel_loop3A_12 = arith.constant 1 : i32
      %parallel_loop3A_13 = scf.for %parallel_loop3A_17 = %parallel_loop3A_10 to %parallel_loop3A_11 step %parallel_loop3A_12 iter_args(%parallel_loop3A_18 = %broadcast_in_dim3A_5) -> (vector<16xi32>)  : i32 {
        %parallel_loop3A_19 = arith.constant 16 : i32
        %parallel_loop3A_20 = arith.muli %parallel_loop3A_17, %parallel_loop3A_19 : i32
        %parallel_loop3A_21 = arith.index_cast %parallel_loop3A_20 : i32 to index
        %parallel_loop3A_22 = tpu.vector_load %arg5[%parallel_loop3A_21] {strides = array<i32>} : memref<4096xi32, #tpu.memory_space<vmem>>, vector<16xi32>,
        %parallel_loop3A_23 = arith.constant 100000 : i32
        %parallel_loop3A_24 = vector.broadcast %parallel_loop3A_23 : i32 to vector<16xi32>
        %parallel_loop3A_25 = arith.cmpi slt, %parallel_loop3A_22, %parallel_loop3A_24 : vector<16xi32>
        %parallel_loop3A_26 = arith.select %parallel_loop3A_25, %broadcast_in_dim3A_3, %broadcast_in_dim3A_5 : vector<16xi1>, vector<16xi32>
        %parallel_loop3A_27 = arith.constant true
        %parallel_loop3A_28 = vector.broadcast %parallel_loop3A_27 : i1 to vector<16xi1>
        %parallel_loop3A_29 = tpu.scan <sum>, %parallel_loop3A_26 masked %parallel_loop3A_28 : vector<16xi32>, vector<16xi1> -> vector<16xi32>
        %parallel_loop3A_30 = arith.subi %parallel_loop3A_29, %parallel_loop3A_26 : vector<16xi32>
        %parallel_loop3A_31 = arith.addi %parallel_loop3A_18, %parallel_loop3A_30 : vector<16xi32>
        tpu.vector_store_idx %arg6[%parallel_loop3A_31], %parallel_loop3A_22 masked %parallel_loop3A_25 : memref<4096xi32, #tpu.memory_space<vmem>>[vector<16xi32>], vector<16xi32>, vector<16xi1>
        %parallel_loop3A_32 = vector.extract_strided_slice %parallel_loop3A_29 {offsets = [15], sizes = [1], strides = [1]} : vector<16xi32> to vector<1xi32>
        %parallel_loop3A_33 = vector.extract %parallel_loop3A_32[0] : i32 from vector<1xi32>
        %parallel_loop3A_34 = vector.broadcast %parallel_loop3A_33 : i32 to vector<16xi32>
        %parallel_loop3A_35 = arith.addi %parallel_loop3A_18, %parallel_loop3A_34 : vector<16xi32>
        scf.yield %parallel_loop3A_35 : vector<16xi32>
      } {sc.loop_unroll_factor = 4 : i64, sc.parallel_access}
      "tpu.region"() ({
        %run_scoped3A = tpu.sem_alloc : memref<!tpu.dma_semaphore, #tpu.memory_space<semaphore_mem>>
        %dma_start3A = arith.constant 0 : i32
        %dma_start3A_17 = tpu.memref_slice %arg3[%add3A, %dma_start3A] : memref<16x4096xi32, #tpu.memory_space<hbm>> -> memref<1x4096xi32, #tpu.memory_space<hbm>>
        %dma_start3A_18 = tpu.memref_squeeze %dma_start3A_17 : memref<1x4096xi32, #tpu.memory_space<hbm>> -> memref<4096xi32, #tpu.memory_space<hbm>>
        %dma_start3A_19 = arith.constant 0 : i32
        %dma_start3A_20 = tpu.memref_slice %arg3[%add3A, %dma_start3A_19] : memref<16x4096xi32, #tpu.memory_space<hbm>> -> memref<1x4096xi32, #tpu.memory_space<hbm>>
        %dma_start3A_21 = tpu.memref_squeeze %dma_start3A_20 : memref<1x4096xi32, #tpu.memory_space<hbm>> -> memref<4096xi32, #tpu.memory_space<hbm>>
        tpu.enqueue_dma source(%arg6 : memref<4096xi32, #tpu.memory_space<vmem>>) target(%dma_start3A_21 : memref<4096xi32, #tpu.memory_space<hbm>>) target_semaphore(%run_scoped3A : memref<!tpu.dma_semaphore, #tpu.memory_space<semaphore_mem>>)
        %dma_wait3A = arith.constant 0 : i32
        %dma_wait3A_22 = tpu.memref_slice %arg3[%add3A, %dma_wait3A] : memref<16x4096xi32, #tpu.memory_space<hbm>> -> memref<1x4096xi32, #tpu.memory_space<hbm>>
        %dma_wait3A_23 = tpu.memref_squeeze %dma_wait3A_22 : memref<1x4096xi32, #tpu.memory_space<hbm>> -> memref<4096xi32, #tpu.memory_space<hbm>>
        %dma_wait3A_24 = arith.constant 0 : i32
        %dma_wait3A_25 = tpu.memref_slice %arg3[%add3A, %dma_wait3A_24] : memref<16x4096xi32, #tpu.memory_space<hbm>> -> memref<1x4096xi32, #tpu.memory_space<hbm>>
        %dma_wait3A_26 = tpu.memref_squeeze %dma_wait3A_25 : memref<1x4096xi32, #tpu.memory_space<hbm>> -> memref<4096xi32, #tpu.memory_space<hbm>>
        tpu.wait_dma2 semaphore(%run_scoped3A : memref<!tpu.dma_semaphore, #tpu.memory_space<semaphore_mem>>) src(%arg6 : memref<4096xi32, #tpu.memory_space<vmem>>) dst(%dma_wait3A_26 : memref<4096xi32, #tpu.memory_space<hbm>>)
        tpu.yield
      }) : () -> ()
      %swap3A = arith.constant 0 : index
      %swap3A_14 = tpu.vector_load %arg7[%swap3A] {strides = array<i32>} : memref<16xi32, #tpu.memory_space<vmem>>, vector<16xi32>,
      tpu.vector_store %arg7[%swap3A], %parallel_loop3A_13 {strides = array<i32>} : memref<16xi32, #tpu.memory_space<vmem>>, vector<16xi32>,
      %mul3A_15 = arith.constant 8 : i32
      %mul3A_16 = arith.muli %add3A, %mul3A_15 : i32
      "tpu.region"() ({
        %run_scoped3A = tpu.sem_alloc : memref<!tpu.dma_semaphore, #tpu.memory_space<semaphore_mem>>
        %dma_start3A = arith.constant 0 : i32
        %dma_start3A_17 = tpu.memref_slice %arg7[%dma_start3A] : memref<16xi32, #tpu.memory_space<vmem>> -> memref<8xi32, #tpu.memory_space<vmem>>
        %dma_start3A_18 = tpu.memref_slice %arg4[%mul3A_16] : memref<128xi32, #tpu.memory_space<hbm>> -> memref<8xi32, #tpu.memory_space<hbm>>
        %dma_start3A_19 = tpu.memref_slice %arg4[%mul3A_16] : memref<128xi32, #tpu.memory_space<hbm>> -> memref<8xi32, #tpu.memory_space<hbm>>
        %dma_start3A_20 = arith.constant 0 : i32
        %dma_start3A_21 = tpu.memref_slice %arg7[%dma_start3A_20] : memref<16xi32, #tpu.memory_space<vmem>> -> memref<8xi32, #tpu.memory_space<vmem>>
        tpu.enqueue_dma source(%dma_start3A_21 : memref<8xi32, #tpu.memory_space<vmem>>) target(%dma_start3A_19 : memref<8xi32, #tpu.memory_space<hbm>>) target_semaphore(%run_scoped3A : memref<!tpu.dma_semaphore, #tpu.memory_space<semaphore_mem>>)
        %dma_wait3A = arith.constant 0 : i32
        %dma_wait3A_22 = tpu.memref_slice %arg7[%dma_wait3A] : memref<16xi32, #tpu.memory_space<vmem>> -> memref<8xi32, #tpu.memory_space<vmem>>
        %dma_wait3A_23 = tpu.memref_slice %arg4[%mul3A_16] : memref<128xi32, #tpu.memory_space<hbm>> -> memref<8xi32, #tpu.memory_space<hbm>>
        %dma_wait3A_24 = tpu.memref_slice %arg4[%mul3A_16] : memref<128xi32, #tpu.memory_space<hbm>> -> memref<8xi32, #tpu.memory_space<hbm>>
        %dma_wait3A_25 = arith.constant 0 : i32
        %dma_wait3A_26 = tpu.memref_slice %arg7[%dma_wait3A_25] : memref<16xi32, #tpu.memory_space<vmem>> -> memref<8xi32, #tpu.memory_space<vmem>>
        tpu.wait_dma2 semaphore(%run_scoped3A : memref<!tpu.dma_semaphore, #tpu.memory_space<semaphore_mem>>) src(%dma_wait3A_26 : memref<8xi32, #tpu.memory_space<vmem>>) dst(%dma_wait3A_24 : memref<8xi32, #tpu.memory_space<hbm>>)
        tpu.yield
      }) : () -> ()
    } else {
    }
    return
  }
}

</mosaic_0001>

<sc_bundles>
// kernel: kernel.3.cloned.1.call-start
scs
__scs_entry_jumppad:
0x0: {  	(pc) =	sbr.rel $0x88, $3  }
0x1: {  	(tag) =	ssettag $0x0;
	lr =	simm.s32 $0x1  }
0x2: {  	[smem:$0x3FA0] =	sst lr;
	_ =	strace $0xD0000000  }
0x3: {  	_ = 	snop  }
0x4: {  	_ = 	snop  }
0x5: {  	_ = 	snop  }
0x6: {  	_ = 	snop  }
0x7: {  	_ = 	snop  }
__scs_overlays_trampoline_lowered:
0x8: {  	[smem:$0x3FAF] =	sst s0  }
0x9: {  	[smem:$0x3FB0] =	sst s1  }
0xa: {  	[smem:$0x3FB1] =	sst s2  }
0xb: {  	[smem:$0x3FB2] =	sst s3  }
0xc: {  	[smem:$0x3FB3] =	sst s4  }
0xd: {  	[smem:$0x3FB4] =	sst s5  }
0xe: {  	[smem:$0x3FB5] =	sst s6  }
0xf: {  	[smem:$0x3FB6] =	sst s7  }
0x10: {  	[smem:$0x3FB7] =	sst s8  }
0x11: {  	[smem:$0x3FB8] =	sst s9;
	s0 =	simm.s32 @!p0 $0x0  }
0x12: {  	s1 =	sld [smem:$0x3F9E];
	s0 =	simm.s32 @p0 $0x1  }
0x13: {  	[smem:$0x3FB9] =	sst s0;
	s0 =	simm.s32 @!p1 $0x0  }
0x14: {  	s2 =	sld [smem:$0x3F9D];
	s0 =	simm.s32 @p1 $0x1  }
0x15: {  	[smem:$0x3FBA] =	sst s0;
	s0 =	simm.s32 @!p2 $0x0  }
0x16: {  	s3 =	sld [smem:$0x3FDB];
	s0 =	simm.s32 @p2 $0x1  }
0x17: {  	s4 =	simm.s32 $0x1BF5;
	[smem:$0x3FBC] =	sst s0  }
0x18: {  	s0 =	sld [smem:$0x3F9F];
	_ =	swait.ge [sflag:s4], $0x0  }
0x19: {  	s7 =	sld [smem:$0x3FA0]  }
0x1a: {  	s8 =	sadd.s32 $0xFFFFE003, lr  }
0x1b: {  	s9 =	sadd.s32 $0xFFFFFEF7, lr;
	s5 =	simm.s32 $0xFFFFFFFF;
	p2 =	slt.u32 s8, $0xFFFFF086  }
0x1c: {  	p1 =	slt.u32 s9, $0xF7A;
	s5 =	simm.s32 @!p2 $0x0  }
0x1d: {  	s5 =	simm.s32 @p1 $0x1;
	p0 =	seq.s32 s7, s2  }
0x1e: {  	s7 =	smul.u32 @!p0 $0xF7A, s2;
	p2 =	seq.s32 @!p0 s5, $0x0  }
0x1f: {  	s9 =	smul.u32 $0xF7A, s1;
	s8 =	simm.s32 @!p0 $0x1BF5;
	p2 =	por !p2, p0  }
0x20: {  	[sflag:s8] =	ssyncset.s32 @!p0 $0xFFFFF086;
	s6 =	sadd.s32 @!p0 s3, s7;
	s7 =	simm.s32 @!p0 $0x108  }
0x21: {  	s3 =	sadd.s32 s3, s9;
	s6 =	sadd.s32 @!p0 $0x88, s6;
	s7 =	simm.s32 @p2 $0x1082  }
0x22: {  	[simem:s7], [sflag:s8] =	dma.local @!p0 [hbm:s6], $0xF7A  }
0x23: {  	s9 =	sor.u32 $0xD0000000, s2;
	s6 =	simm.s32 $0x108;
	_ =	swait.ge @!p0 [sflag:s8], $0x0  }
0x24: {  	s3 =	sadd.s32 $0x88, s3;
	s6 =	simm.s32 @!p1 $0x1082;
	[sflag:s4] =	ssyncset.s32 $0xFFFFF086  }
0x25: {  	[simem:s6], [sflag:s4] =	dma.local [hbm:s3], $0xF7A  }
0x26: {  	[smem:$0x3FA0] =	sst s1;
	(tag) =	ssettag s2;
	_ =	strace s9  }
0x27: {  	s1 =	sld [smem:$0x3FB0]  }
0x28: {  	s2 =	sld [smem:$0x3FB1]  }
0x29: {  	s4 =	sld [smem:$0x3FB3]  }
0x2a: {  	p0 =	seq.s32 s5, $0x0;
	s5 =	sld [smem:$0x3FB4]  }
0x2b: {  	s6 =	sld [smem:$0x3FB5]  }
0x2c: {  	s7 =	sld [smem:$0x3FB6]  }
0x2d: {  	s3 =	simm.s32 $0x108;
	s8 =	sld [smem:$0x3FB7]  }
0x2e: {  	s3 =	simm.s32 @!p0 $0x1082;
	s9 =	sld [smem:$0x3FB8]  }
0x2f: {  	lr =	sadd.s32 s0, s3;
	s0 =	sld [smem:$0x3FAF]  }
0x30: {  	s3 =	sld [smem:$0x3FB2]  }
0x31: {  	[smem:$0x3FBB] =	sst s10  }
0x32: {  	s10 =	sld [smem:$0x3FB9];
	_ =	sdelay $0x3  }
0x33: {  	p0 =	seq.s32 s10, $0x1;
	s10 =	sld [smem:$0x3FBB];
	_ =	sdelay $0x3  }
0x34: {  	[smem:$0x3FBB] =	sst s10  }
0x35: {  	s10 =	sld [smem:$0x3FBA];
	_ =	sdelay $0x3  }
0x36: {  	p1 =	seq.s32 s10, $0x1;
	s10 =	sld [smem:$0x3FBB];
	_ =	sdelay $0x3  }
0x37: {  	[smem:$0x3FBB] =	sst s10  }
0x38: {  	s10 =	sld [smem:$0x3FBC]  }
0x39: {  	_ = 	snop;
	(pc) =	sbr.ind lr, $3  }
0x3a: {  	_ = 	snop  }
0x3b: {  	_ = 	snop  }
0x3c: {  	p2 =	seq.s32 s10, $0x1;
	s10 =	sld [smem:$0x3FBB]  }
0x3d: {  	_ =	shalt  }
0x3e: {  	_ =	shalt  }
0x3f: {  	_ =	shalt  }
0x40: {  	_ =	shalt  }
0x41: {  	_ =	shalt  }
0x42: {  	_ =	shalt  }
0x43: {  	_ =	shalt  }
0x44: {  	_ =	shalt  }
0x45: {  	_ =	shalt  }
0x46: {  	_ =	shalt  }
0x47: {  	_ =	shalt  }
0x48: {  	_ =	shalt  }
0x49: {  	_ =	shalt  }
0x4a: {  	_ =	shalt  }
0x4b: {  	_ =	shalt  }
0x4c: {  	_ =	shalt  }
0x4d: {  	_ =	shalt  }
0x4e: {  	_ =	shalt  }
0x4f: {  	_ =	shalt  }
0x50: {  	_ =	shalt  }
0x51: {  	_ =	shalt  }
0x52: {  	_ =	shalt  }
0x53: {  	_ =	shalt  }
0x54: {  	_ =	shalt  }
0x55: {  	_ =	shalt  }
0x56: {  	_ =	shalt  }
0x57: {  	_ =	shalt  }
0x58: {  	_ =	shalt  }
0x59: {  	_ =	shalt  }
0x5a: {  	_ =	shalt  }
0x5b: {  	_ =	shalt  }
0x5c: {  	_ =	shalt  }
0x5d: {  	_ =	shalt  }
0x5e: {  	_ =	shalt  }
0x5f: {  	_ =	shalt  }
0x60: {  	_ =	shalt  }
0x61: {  	_ =	shalt  }
0x62: {  	_ =	shalt  }
0x63: {  	_ =	shalt  }
0x64: {  	_ =	shalt  }
0x65: {  	_ =	shalt  }
0x66: {  	_ =	shalt  }
0x67: {  	_ =	shalt  }
0x68: {  	_ =	shalt  }
0x69: {  	_ =	shalt  }
0x6a: {  	_ =	shalt  }
0x6b: {  	_ =	shalt  }
0x6c: {  	_ =	shalt  }
0x6d: {  	_ =	shalt  }
0x6e: {  	_ =	shalt  }
0x6f: {  	_ =	shalt  }
0x70: {  	_ =	shalt  }
0x71: {  	_ =	shalt  }
0x72: {  	_ =	shalt  }
0x73: {  	_ =	shalt  }
0x74: {  	_ =	shalt  }
0x75: {  	_ =	shalt  }
0x76: {  	_ =	shalt  }
0x77: {  	_ =	shalt  }
0x78: {  	_ =	shalt  }
0x79: {  	_ =	shalt  }
0x7a: {  	_ =	shalt  }
0x7b: {  	_ =	shalt  }
0x7c: {  	_ =	shalt  }
0x7d: {  	_ =	shalt  }
0x7e: {  	_ =	shalt  }
0x7f: {  	_ =	shalt  }
0x80: {  	_ =	shalt  }
0x81: {  	_ =	shalt  }
0x82: {  	_ =	shalt  }
0x83: {  	_ =	shalt  }
0x84: {  	_ =	shalt  }
0x85: {  	_ =	shalt  }
0x86: {  	_ =	shalt  }
0x87: {  	_ =	shalt  }
.Lfunc_end0:
.L_simem_size_0:
called_computation_lowered:
.L_overlay_start_0:
0x88: {  	s2 =	sld [smem:$0x3FD9]  }
0x89: {  	s3 =	sld [smem:$0x3FFE];
	_ =	sdelay $0x1  }
0x8a: {  	s1 =	srdreg.scid  }
0x8b: {  	s0 =	sand.u32 $0x1, s1  }
0x8c: {  	s15 =	sshll.u32 s0, $0xA;
	s2 =	sadd.s32 s3, s2  }
0x8d: {  	s2 =	sadd.s32 s2, s15  }
0x8e: {  	[smem:$0x3FC7] =	sst s2  }
0x8f: {  	_ = 	snop  }
0x90: {  	s2 =	sld [smem:$0x3FD0];
	_ =	sdelay $0x2  }
0x91: {  	s4 =	simm.s32 $0xA;
	s5 =	simm.s32 $0x10;
	s16 =	sld [smem:$0x3FC9]  }
0x92: {  	[smem:s5], [sflag:s4] =	dma.local [hbm:s2], $0x1  }
0x93: {  	_ =	swait.eq [sflag:s4], $0x1  }
0x94: {  	[sflag:s4] =	ssyncset.done $0x0  }
0x95: {  	s17 =	sld [smem:$0x10];
	[sflag:s4] =	ssyncadd.s32 $0xFFFFFFFF  }
0x96: {  	s18 =	sld [smem:$0x11];
	(tm) =	ssettm $0x1  }
0x97: {  	s19 =	sld [smem:$0x3FFB];
	_ =	sdelay $0x3  }
0x98: {  	_ =	strace s19  }
0x99: {  	s5 =	sld [smem:$0x3FFC];
	_ =	sdelay $0x3  }
0x9a: {  	_ =	strace s5  }
0x9b: {  	s5 =	sld [smem:$0x3FFD];
	_ =	sdelay $0x3  }
0x9c: {  	_ =	strace s5  }
0x9d: {  	_ =	strace $0x8FFFFFFF  }
0x9e: {  	s20 =	sld [smem:$0x3FDB];
	_ =	sdelay $0x1  }
0x9f: {  	s6 =	simm.s32 $_scs_section_size  }
0xa0: {  	s7 =	simm.s32 $_size__tile_overlayer_lowered;
	s8 =	simm.s32 $_tile_overlayer_lowered  }
0xa1: {  	s23 =	simm.s32 $0x1BFF;
	s22 =	sshll.u32 s8, $0x1;
	s5 =	sadd.s32 s6, s20  }
0xa2: {  	s9 =	simm.s32 $0x0;
	s21 =	sshll.u32 s7, $0x1;
	s7 =	sadd.s32 s22, s5  }
0xa3: {  	[timem:s9], [sflag:s23] =	dma.local [hbm:s7], s21  }
0xa4: {  	_ =	swait.ge [sflag:s23], s21  }
0xa5: {  	s6 =	ssub.s32 $0x0, s21;
	[sflag:s23] =	ssyncset.done $0x0  }
0xa6: {  	[sflag:s23] =	ssyncadd.s32 s6;
	_ =	sdelay $0x1  }
0xa7: {  	s24 =	simm.s32 $0x1B8B  }
0xa8: {  	_ =	swait.ge [sflag:s24], $0x1  }
0xa9: {  	[sflag:s24] =	ssyncset.done $0x0  }
0xaa: {  	s25 =	simm.s32 $0x1B8E;
	[sflag:s24] =	ssyncadd.s32 $0xFFFFFFFF  }
0xab: {  	s26 =	simm.s32 $execute0_lowered;
	[smem:$0x3FD2] =	sst s25  }
0xac: {  	s6 =	sshll.u32 s26, $0x1;
	_ =	strace $0x80000046;
	[dreg:$0x1] =	wrdreg $0xFFFFFFFF  }
0xad: {  	s28 =	simm.s32 $_size_execute0_lowered;
	s5 =	sadd.s32 s5, s6;
	[dreg:$0x0] =	wrdreg $0x0  }
0xae: {  	s6 =	sshll.u32 s28, $0x1;
	[dreg:$0x2] =	wrdreg s5  }
0xaf: {  	[dreg:$0x3] =	wrdreg s6  }
0xb0: {  	[dreg:$0x4] =	wrdreg $0xC0  }
0xb1: {  	_ =	task [dreg:s9], $0x5FFFF  }
0xb2: {  	[dreg:$0x1] =	wrdreg $0xFFFFFFFF  }
0xb3: {  	[dreg:$0x0] =	wrdreg $0x60  }
0xb4: {  	[dreg:$0x2] =	wrdreg s16  }
0xb5: {  	[dreg:$0x3] =	wrdreg s17  }
0xb6: {  	[dreg:$0x4] =	wrdreg s18  }
0xb7: {  	[dreg:$0x5] =	wrdreg $0x9  }
0xb8: {  	_ =	task.clear_ibuf [dreg:s9], $0x6FFFF;
	_ =	strace $0x90000046  }
0xb9: {  	s29 =	simm.s32 $0x9;
	_ =	strace $0x80000048  }
0xba: {  	_ =	swait.ge [sflag:s29], $0x1  }
0xbb: {  	[sflag:s29] =	ssyncadd.s32 $0xFFFFFFFF  }
0xbc: {  	_ =	strace $0x90000048  }
0xbd: {  	_ =	sfence  }
0xbe: {  	s30 =	sld [smem:$0x0];
	_ =	sdelay $0x2  }
0xbf: {  	s31 =	sshll.u32 s1, $0xD;
	s1 =	sshrl.u32 s1, $0x2  }
0xc0: {  	s3 =	sand.u32 $0x4000, s31;
	s1 =	sadd.s32 s1, s30  }
0xc1: {  	s0 =	sor.u32 s3, s0;
	s1 =	sshll.u32 s1, $0x11  }
0xc2: {  	s0 =	sor.u32 s1, s0  }
0xc3: {  	s0 =	sadd.s32 $0x8F2B, s0  }
0xc4: {  	[sflag:s0] =	ssyncadd.remote.s32 $0x1  }
0xc5: {  	_ =	sfence.sel $0xFFFF  }
0xc6: {  	[dreg:$0x0] =	wrdreg $0xFFFFFFFF;
	(pc) =	sbr.abs _section_cstart, $3  }
0xc7: {  	[dreg:$0x1] =	wrdreg $0xFFFFFFFF  }
0xc8: {  	_ =	task.clear_ibuf [dreg:s9], $0x2FFFF;
	_ =	strace $0x9FFFFFFF  }
0xc9: {  	(tm) =	ssettm $0x7FFFFFFF  }
tec
execute0_lowered:
.L_overlay_start_1:
0x0: {  	(tag) =	ssettag $0x1  }
0x1: {  	s1 =	stileid.u32  }
0x2: {  	p0 =	sgt.u32 s1, $0x7  }
.Ltmp0:
0x3: {  	s5 =	rddreg [dreg:$0x0];
	(pc) =	sbr.rel @p0 .LBB2_7-.Ltmp0, $4  }
0x4: {  	s3 =	rddreg [dreg:$0x1]  }
0x5: {  	s4 =	rddreg [dreg:$0x2];
	s2 =	simm.s32 $0x0  }
0x6: {  	[smem:$0x7FF] =	sst s2  }
0x7: {  	s0 =	rddreg [dreg:$0x3];
	_ =	strace $0x80000047  }
0x8: {  	s6 =	srdreg.scid;
	s8 =	sshll.u32 s1, $0x4  }
0x9: {  	s4 =	sadd.s32 s4, s1;
	s10 =	simm.s32 $0x1000;
	s6 =	sand.u32 $0x1, s6  }
0xa: {  	s11 =	simm.s32 $0x2000;
	s12 =	simm.s32 $0x0;
	s7 =	sshll.u32 s6, $0xC  }
0xb: {  	s9 =	ssub.s32 $0x2, s6;
	s6 =	sshll.u32 s6, $0x3;
	s7 =	sor.u32 s8, s7  }
0xc: {  	s31 =	sshrl.u32 s9, $0x1;
	s4 =	sadd.s32 s6, s4;
	s3 =	sadd.s32 s3, s7  }
0xd: {  	s8 =	ssub.s32 s9, s31;
	s5 =	sadd.s32 s5, s7;
	s7 =	simm.s32 $0x80  }
0xe: {  	v0 =	vimm.s32 $0xFFFFFFFF;
	v1 =	vimm.s32 $0x0;
	s9 =	simm.s32 $0x1;
	s6 =	smax.u32 s8, $0x1;
	s8 =	simm.s32 $0x400  }
.LBB2_2:
0xf: {  	[tilespmem:s2], [sflag:$0x1] =	stream.strided.gather [hbm4b:s5+s7], $0x1000, s8, s7, $0x38;
	[tilespmem:$0x2080] =	vst v63  }
0x10: {  	_ =	swait.ge [sflag:s9], $0x1000  }
0x11: {  	[sflag:s9] =	ssyncset.done $0x0  }
0x12: {  	s13 =	simm.s32 $0x1040;
	[sflag:s9] =	ssyncadd.s32 $0xFFFFF000  }
0x13: {  	[tilespmem:s13+$0xFFFFFFC0] =	vst v0  }
0x14: {  	[tilespmem:s13+$0x30] =	vst v0  }
0x15: {  	[tilespmem:s13+$0x20] =	vst v0  }
0x16: {  	[tilespmem:s13+$0x10] =	vst v0  }
0x17: {  	[tilespmem:s13+$0x0] =	vst v0  }
0x18: {  	[tilespmem:s13+$0xFFFFFFF0] =	vst v0  }
0x19: {  	s15 =	simm.s32 $0x0;
	s14 =	simm.s32 $0x20;
	[tilespmem:s13+$0xFFFFFFE0] =	vst v0  }
.LBB2_3:
0x1a: {  	s15 =	sadd.s32 $0x8, s15;
	[tilespmem:s13+$0xFFFFFFD0] =	vst v0;
	s13 =	sadd.s32 $0x80, s13  }
0x1b: {  	[tilespmem:s13+$0xFFFFFFC0] =	vst v0;
	p0 =	slt.u32 s15, $0xF8  }
0x1c: {  	[tilespmem:s13+$0x30] =	vst v0  }
.Ltmp1:
0x1d: {  	[tilespmem:s13+$0x20] =	vst v0;
	(pc) =	sbr.rel @p0 .LBB2_3-.Ltmp1, $4  }
0x1e: {  	[tilespmem:s13+$0x10] =	vst v0  }
0x1f: {  	[tilespmem:s13+$0x0] =	vst v0  }
0x20: {  	[tilespmem:s13+$0xFFFFFFF0] =	vst v0  }
0x21: {  	[tilespmem:s13+$0xFFFFFFE0] =	vst v0  }
0x22: {  	[tilespmem:s13+$0xFFFFFFD0] =	vst v0  }
0x23: {  	v8 =	vld [tilespmem:s14+$0xFFFFFFE0];
	_ =	sdelay $0x2  }
0x24: {  	v3 =	vld [tilespmem:s14+$0xFFFFFFF0]  }
0x25: {  	v4 =	vld [tilespmem:s14+$0x0]  }
0x26: {  	vm0 =	vlt.s32 v8, $0x186A0  }
0x27: {  	v2 =	vld [tilespmem:s14+$0x10];
	v5 =	vsel vm0, $0x1, v1  }
0x28: {  	(xrf0) =	vadd.scan.msk.s32 $0xffff, v5  }
0x29: {  	vm2 =	vlt.s32 v3, $0x186A0  }
0x2a: {  	vm3 =	vlt.s32 v4, $0x186A0;
	v6 =	vsel vm2, $0x1, v1  }
0x2b: {  	v5 =	vsel vm3, $0x1, v1;
	(xrf0) =	vadd.scan.msk.s32 $0xffff, v6  }
0x2c: {  	v10 =	vimm.s32 $0x0;
	s13 =	simm.s32 $0x60;
	vm1 =	vlt.s32 v2, $0x186A0;
	(xrf0) =	vadd.scan.msk.s32 $0xffff, v5;
	v5 =	vsel vm0, $0xFFFFFFFF, v1  }
0x2d: {  	v6 =	vsel vm1, $0x1, v1;
	v7 =	vadd.s32 v5, v10;
	v5 =	vld [tilespmem:s13+$0xFFFFFFE0]  }
0x2e: {  	vm4 =	vmmov vm0;
	(xrf0) =	vadd.scan.msk.s32 $0xffff, v6;
	v6 =	vld [tilespmem:s13+$0xFFFFFFF0];
	v12, _, _ =	vpop (xrf0)  }
0x2f: {  	v15 =	vadd.s32 v12, v7  }
0x30: {  	v9 =	vsel vm2, $0xFFFFFFFF, v1;
	v11 =	vsel vm3, $0xFFFFFFFF, v1  }
0x31: {  	v13 =	vsel vm1, $0xFFFFFFFF, v1;
	vm2 =	vmmov vm2;
	v12 =	vbroadcast v12, $0xF;
	v14, _, _ =	vpop (xrf0)  }
0x32: {  	vm0 =	vmmov vm3;
	v7 =	vld [tilespmem:s13+$0x0];
	v9 =	vadd.s32 v9, v14;
	v14 =	vbroadcast v14, $0xF  }
0x33: {  	v16, _, _ =	vpop (xrf0);
	vm6 =	vlt.s32 v5, $0x186A0;
	vm3 =	vlt.s32 v6, $0x186A0;
	v12 =	vadd.s32 v10, v12  }
0x34: {  	v10 =	vadd.s32 v11, v16;
	v16 =	vbroadcast v16, $0xF;
	v11, _, _ =	vpop (xrf0);
	v18 =	vsel vm6, $0x1, v1;
	[tilespmem:v15+s10+$0x0] =	vst.idx.msk vm4, v8;
	v8 =	vld [tilespmem:s13+$0x10]  }
0x35: {  	v14 =	vadd.s32 v12, v14;
	v13 =	vadd.s32 v13, v11;
	v17 =	vbroadcast v11, $0xF  }
0x36: {  	v11 =	vadd.s32 v14, v10;
	v14 =	vadd.s32 v14, v16;
	v16 =	vsel vm3, $0x1, v1  }
0x37: {  	s14 =	simm.s32 $0x4;
	(xrf0) =	vadd.scan.msk.s32 $0xffff, v18;
	v10 =	vadd.s32 v14, v17;
	v15 =	vsel vm6, $0xFFFFFFFF, v1;
	vm4 =	vlt.s32 v7, $0x186A0  }
.LBB2_5:
0x38: {  	v17 =	vsel vm3, $0xFFFFFFFF, v1;
	v18 =	vsel vm4, $0x1, v1;
	vm7 =	vmmov vm1  }
0x39: {  	s14 =	sadd.s32 $0x4, s14;
	(xrf0) =	vadd.scan.msk.s32 $0xffff, v16;
	vm1 =	vlt.s32 v8, $0x186A0;
	vm5 =	vmmov vm6;
	vm6 =	vmmov vm2  }
0x3a: {  	v16 =	vsel vm4, $0xFFFFFFFF, v1;
	p0 =	slt.u32 s14, $0xFC;
	v19 =	vsel vm1, $0xFFFFFFFF, v1;
	v20 =	vsel vm1, $0x1, v1;
	(xrf0) =	vadd.scan.msk.s32 $0xffff, v18  }
0x3b: {  	v15 =	vadd.s32 v15, v10;
	v18 =	vadd.s32 v12, v9;
	v12 =	vadd.s32 v14, v13;
	(xrf0) =	vadd.scan.msk.s32 $0xffff, v20  }
0x3c: {  	vm2 =	vmmov vm3;
	[tilespmem:v11+s10+$0x0] =	vst.idx.msk vm0, v4;
	v4 =	vmov v7;
	vm0 =	vmmov vm4  }
0x3d: {  	s13 =	sadd.s32 $0x40, s13  }
0x3e: {  	v20 =	vld [tilespmem:s13+$0xFFFFFFE0];
	v7, _, _ =	vpop (xrf0)  }
0x3f: {  	v21 =	vld [tilespmem:s13+$0xFFFFFFF0];
	v15 =	vadd.s32 v7, v15;
	v22 =	vbroadcast v7, $0xF;
	v13, _, _ =	vpop (xrf0)  }
0x40: {  	v7 =	vld [tilespmem:s13+$0x0];
	v9 =	vadd.s32 v17, v13;
	v13 =	vbroadcast v13, $0xF;
	v14, _, _ =	vpop (xrf0);
	[tilespmem:v12+s10+$0x0] =	vst.idx.msk vm7, v2;
	v2 =	vmov v8  }
.Ltmp2:
0x41: {  	v8 =	vld [tilespmem:s13+$0x10];
	v12 =	vadd.s32 v10, v22;
	v10 =	vadd.s32 v16, v14;
	v14 =	vbroadcast v14, $0xF;
	v11, _, _ =	vpop (xrf0);
	[tilespmem:v18+s10+$0x0] =	vst.idx.msk vm6, v3;
	(pc) =	sbr.rel @p0 .LBB2_5-.Ltmp2, $4  }
0x42: {  	v3 =	vmovc v6;
	v16 =	vadd.s32 v12, v13;
	v13 =	vadd.s32 v19, v11;
	v17 =	vbroadcast v11, $0xF  }
0x43: {  	vm6 =	vlt.s32 v20, $0x186A0;
	v11 =	vadd.s32 v16, v10;
	v14 =	vadd.s32 v16, v14  }
0x44: {  	v18 =	vsel vm6, $0x1, v1;
	vm3 =	vlt.s32 v21, $0x186A0;
	[tilespmem:v15+s10+$0x0] =	vst.idx.msk vm5, v5;
	v10 =	vadd.s32 v14, v17;
	v5 =	vmovc v20  }
0x45: {  	v15 =	vsel vm6, $0xFFFFFFFF, v1;
	v6 =	vmovc v21;
	v16 =	vsel vm3, $0x1, v1;
	vm4 =	vlt.s32 v7, $0x186A0;
	(xrf0) =	vadd.scan.msk.s32 $0xffff, v18  }
0x46: {  	v17 =	vsel vm4, $0x1, v1;
	(xrf0) =	vadd.scan.msk.s32 $0xffff, v16  }
0x47: {  	vm5 =	vlt.s32 v8, $0x186A0;
	(xrf0) =	vadd.scan.msk.s32 $0xffff, v17  }
0x48: {  	vm1 =	vmmov vm1;
	v51 =	vsel vm5, $0x1, v1  }
0x49: {  	v52 =	vsel vm3, $0xFFFFFFFF, v1;
	v54 =	vadd.s32 v14, v13;
	(xrf0) =	vadd.scan.msk.s32 $0xffff, v51  }
0x4a: {  	vm6 =	vmmov vm6;
	vm2 =	vmmov vm2;
	v53 =	vsel vm4, $0xFFFFFFFF, v1  }
0x4b: {  	v15 =	vadd.s32 v15, v10;
	v9 =	vadd.s32 v12, v9;
	vm13 =	vmmov vm3;
	v19, _, _ =	vpop (xrf0)  }
0x4c: {  	vm14 =	vmmov vm4;
	v18 =	vsel vm5, $0xFFFFFFFF, v1;
	v55 =	vbroadcast v19, $0xF;
	v56, _, _ =	vpop (xrf0)  }
0x4d: {  	vm5 =	vmmov vm5;
	v15 =	vadd.s32 v19, v15;
	v57 =	vbroadcast v56, $0xF;
	v20, _, _ =	vpop (xrf0)  }
0x4e: {  	[tilespmem:v54+s10+$0x0] =	vst.idx.msk vm1, v2;
	v62 =	vadd.s32 v52, v56;
	v58 =	vadd.s32 v10, v55;
	v60 =	vbroadcast v20, $0xF  }
0x4f: {  	v59 =	vadd.s32 v53, v20;
	v61, _, _ =	vpop (xrf0);
	v19 =	vadd.s32 v58, v57;
	v2 =	vadd.s32 v58, v62  }
0x50: {  	v18 =	vadd.s32 v18, v61;
	v13 =	vadd.s32 v19, v59;
	v17 =	vadd.s32 v19, v60  }
0x51: {  	[tilespmem:v11+s10+$0x0] =	vst.idx.msk vm0, v4;
	v63 =	vadd.s32 v17, v18  }
0x52: {  	[tilespmem:v9+s10+$0x0] =	vst.idx.msk vm2, v3  }
0x53: {  	[tilespmem:v15+s10+$0x0] =	vst.idx.msk vm6, v5  }
0x54: {  	[tilespmem:v2+s10+$0x0] =	vst.idx.msk vm13, v6  }
0x55: {  	[tilespmem:v13+s10+$0x0] =	vst.idx.msk vm14, v7  }
0x56: {  	[tilespmem:v63+s10+$0x0] =	vst.idx.msk vm5, v8  }
0x57: {  	[hbm4b:s3+s7] =	stream.strided.scatter [tilespmem:s10], [sflag:$0x1], $0x1000, s8, s7, $0x38;
	[tilespmem:$0x2080] =	vst v63  }
0x58: {  	v2 =	vbroadcast v61, $0xF;
	_ =	swait.ge [sflag:s9], $0x1000  }
0x59: {  	s12 =	sadd.s32 $0x1, s12;
	[sflag:s9] =	ssyncset.done $0x0  }
0x5a: {  	p0 =	sne.s32 s12, s6;
	v2 =	vadd.s32 v17, v2;
	[sflag:s9] =	ssyncadd.s32 $0xFFFFF000  }
.Ltmp3:
0x5b: {  	[tilespmem:$0x2000] =	vst v2;
	(pc) =	sbr.rel @p0 .LBB2_2-.Ltmp3, $4  }
0x5c: {  	[hbm4b:s4+s2] =	stream.linear.scatter [tilespmem:s11], [sflag:$0x1], $0x8, $0x38;
	[tilespmem:$0x2080] =	vst v63  }
0x5d: {  	_ =	swait.ge [sflag:s9], $0x8  }
0x5e: {  	[sflag:s9] =	ssyncset.done $0x0  }
0x5f: {  	vm15 =	vmmov vm13;
	[sflag:s9] =	ssyncadd.s32 $0xFFFFFFF8  }
.LBB2_7:
0x60: {  	_ =	sfence.sel $0x180000  }
0x61: {  	[bflag:$0x0] =	sbarrier.arrive $0xFFFF  }
0x62: {  	p0 =	sne.s32 s1, $0x0;
	_ =	strace $0x90000047  }
0x63: {  	s0 =	sadd.s32 @!p0 $0x100000, s0;
	[bflag:$0x2] =	sbarrier.arrive $0xFFFF  }
0x64: {  	[sflag:s0] =	ssyncadd.tile.s32 @!p0 $0x1;
	_ =	shalt  }
.Lfunc_end2:
_tile_overlayer_lowered:
.L_overlay_start_2:
0x65: {  	(tag) =	ssettag $0x2  }
0x66: {  	s0 =	rddreg [dreg:$0x0];
	s2 =	stileid.u32  }
0x67: {  	s1 =	rddreg [dreg:$0x1];
	p0 =	sne.s32 s2, $0x0  }
0x68: {  	s3 =	rddreg [dreg:$0x2];
	[bflag:$0x3] =	sbarrier.arrive $0xFFFF;
	s2 =	simm.s32 @!p0 $0x1C01  }
0x69: {  	[timem:s3], [sflag:s2] =	dma.local @!p0 [hbm:s0], s1  }
0x6a: {  	s0 =	simm.s32 @!p0 $0x1  }
0x6b: {  	_ =	swait.ge @!p0 [sflag:s0], s1  }
0x6c: {  	s1 =	ssub.s32 @!p0 $0x0, s1;
	[sflag:s0] =	ssyncset.done @!p0 $0x0  }
0x6d: {  	[sflag:s0] =	ssyncadd.s32 @!p0 s1  }
0x6e: {  	[bflag:$0x3] =	sbarrier.arrive $0xFFFF  }
0x6f: {  	_ =	shalt  }

</sc_bundles>
